<compile_context>
chip_gen: v7x
topology: tpu7x:2x2x1
jax: 0.10.2.dev20260603
libtpu: 0.0.44.dev20260713+nightly
codegen_flags: <defaults>
</compile_context>

<pallas_src>
import functools

import jax
import jax.numpy as jnp
from jax import lax
from jax.experimental import pallas as pl
from jax.experimental.pallas import tpu as pltpu
from jax.experimental.pallas import tpu_sc as plsc

VOCAB = 100000
EMBED = 16
BATCH = 1024
CTX = 20

NC, NS = 2, 16
NW = NC * NS
ITEMS_PER_W = BATCH // NW
IDX_PER_W = ITEMS_PER_W * CTX
CHUNK = 128
NCHUNK = IDX_PER_W // CHUNK

VB = 2048
NFULL = VOCAB // VB


def _sc_gather_mean(x3d, emb_table):
    mesh = plsc.VectorSubcoreMesh(core_axis_name="c", subcore_axis_name="s")

    @functools.partial(
        pl.kernel,
        out_type=jax.ShapeDtypeStruct((BATCH, EMBED), jnp.float32),
        mesh=mesh,
        scratch_types=[
            pltpu.VMEM((NCHUNK, CHUNK), jnp.int32),
            pltpu.VMEM((IDX_PER_W, EMBED), jnp.float32),
            pltpu.VMEM((ITEMS_PER_W, EMBED), jnp.float32),
            pltpu.SemaphoreType.DMA,
        ],
        compiler_params=pltpu.CompilerParams(use_tc_tiling_on_sc=False),
    )
    def k(x_hbm, tab_hbm, out_hbm, idx_v, rows_v, acc_v, sem):
        wid = lax.axis_index("s") * NC + lax.axis_index("c")
        pltpu.sync_copy(x_hbm.at[wid], idx_v)
        copies = []
        for j in range(NCHUNK):
            copies.append(pltpu.async_copy(
                tab_hbm.at[idx_v.at[j]],
                rows_v.at[pl.ds(j * CHUNK, CHUNK)],
                sem,
            ))
        for c in copies:
            c.wait()

        def body(i, _):
            base = i * CTX
            s = rows_v[base, :]
            for t in range(1, CTX):
                s = s + rows_v[base + t, :]
            acc_v[i, :] = s * (1.0 / CTX)
            return 0

        lax.fori_loop(0, ITEMS_PER_W, body, 0)
        pltpu.sync_copy(acc_v, out_hbm.at[pl.ds(wid * ITEMS_PER_W, ITEMS_PER_W)])

    return k(x3d, emb_table)


def _mm_body(wt_ref, avg_ref, b_ref, out_ref):
    out_ref[...] = lax.dot_general(
        wt_ref[...], avg_ref[...],
        (((0,), (1,)), ((), ())),
        preferred_element_type=jnp.float32,
    ) + jnp.transpose(b_ref[...])


def _tc_matmul_t(avg, Wt, b2):
    return pl.pallas_call(
        _mm_body,
        grid=(NFULL + 1,),
        in_specs=[
            pl.BlockSpec((EMBED, VB), lambda j: (0, j)),
            pl.BlockSpec((BATCH, EMBED), lambda j: (0, 0)),
            pl.BlockSpec((1, VB), lambda j: (0, j)),
        ],
        out_specs=pl.BlockSpec((VB, BATCH), lambda j: (j, 0)),
        out_shape=jax.ShapeDtypeStruct((VOCAB, BATCH), jnp.float32),
    )(Wt, avg, b2)


def kernel(x, emb_table, W, b):
    x3d = x.astype(jnp.int32).reshape(NW, NCHUNK, CHUNK)
    avg = _sc_gather_mean(x3d, emb_table)
    out_t = _tc_matmul_t(avg, W.T, b.reshape(1, VOCAB))
    return out_t.T

# --- scband reference (transcript-rebuilt; emitter-appended) ---
"""Pipeline reference for scband-cbow-7344394076506 (READ-ONLY COPY).

The authoritative reference and input builder live on the scoring server;
editing this copy changes nothing except your own understanding.
"""

import jax, jax.numpy as jnp
import numpy as np

VOCAB = 100000
EMBED = 16
BATCH = 1024
CTX = 20

def setup_inputs(seed: int = 0) -> dict:
    key = jax.random.key(seed)
    k1, k2, k3, k4 = jax.random.split(key, 4)
    x = jax.random.randint(k1, (BATCH, CTX), 0, VOCAB, dtype=jnp.int64 if jax.config.jax_enable_x64 else jnp.int32)
    emb_table = jax.random.normal(k2, (VOCAB, EMBED), dtype=jnp.float32) * 0.02
    W = jax.random.normal(k3, (VOCAB, EMBED), dtype=jnp.float32) * (1.0 / np.sqrt(EMBED))
    b = jax.random.normal(k4, (VOCAB,), dtype=jnp.float32) * 0.01
    return {"x": x, "emb_table": emb_table, "W": W, "b": b}

def reference(x, emb_table, W, b):
    # embedding lookup (gather)
    emb = jnp.take(emb_table, x, axis=0)          # [B, CTX, EMBED]
    average = jnp.mean(emb, axis=1)                # [B, EMBED]
    out = average @ W.T + b                        # [B, VOCAB]
    return out

if __name__ == "__main__":
    import jax
    _d = setup_inputs()
    print(jax.jit(kernel)(*tuple(_d.values())))

</pallas_src>

<mosaic_0001>
#map = affine_map<(d0, d1) -> (0, 0, 0)>
#map1 = affine_map<(d0, d1) -> (0, 0)>
module attributes {stable_mosaic.version = 14 : i64} {
  func.func @k(%arg0: i32, %arg1: i32, %arg2: memref<32x5x128xi32, #tpu.memory_space<hbm>>, %arg3: memref<100000x16xf32, #tpu.memory_space<hbm>>, %arg4: memref<1024x16xf32, #tpu.memory_space<hbm>>, %arg5: memref<5x128xi32, #tpu.memory_space<vmem>>, %arg6: memref<640x16xf32, #tpu.memory_space<vmem>>, %arg7: memref<32x16xf32, #tpu.memory_space<vmem>>, %arg8: memref<!tpu.dma_semaphore, #tpu.memory_space<semaphore_mem>>) attributes {dimension_semantics = [#tpu.dimension_semantics<core_parallel>, #tpu.dimension_semantics<subcore_parallel>], iteration_bounds = array<i64: 2, 16>, scalar_prefetch = 0 : i64, scratch_operands = 4 : i64, tpu.core_type = #tpu.core_type<sc_vector_subcore>, window_params = [{transform_indices = #map}, {transform_indices = #map1}, {transform_indices = #map1}]} {
    %mul3A = arith.constant 2 : i32
    %mul3A_0 = arith.muli %arg1, %mul3A : i32
    %add3A = arith.addi %mul3A_0, %arg0 : i32
    "tpu.region"() ({
      %run_scoped3A = tpu.sem_alloc : memref<!tpu.dma_semaphore, #tpu.memory_space<semaphore_mem>>
      %dma_start3A_107 = arith.constant 0 : i32
      %dma_start3A_108 = arith.constant 0 : i32
      %dma_start3A_109 = tpu.memref_slice %arg2[%add3A, %dma_start3A_107, %dma_start3A_108] : memref<32x5x128xi32, #tpu.memory_space<hbm>> -> memref<1x5x128xi32, #tpu.memory_space<hbm>>
      %dma_start3A_110 = tpu.memref_squeeze %dma_start3A_109 : memref<1x5x128xi32, #tpu.memory_space<hbm>> -> memref<5x128xi32, #tpu.memory_space<hbm>>
      %dma_start3A_111 = arith.constant 0 : i32
      %dma_start3A_112 = arith.constant 0 : i32
      %dma_start3A_113 = tpu.memref_slice %arg2[%add3A, %dma_start3A_111, %dma_start3A_112] : memref<32x5x128xi32, #tpu.memory_space<hbm>> -> memref<1x5x128xi32, #tpu.memory_space<hbm>>
      %dma_start3A_114 = tpu.memref_squeeze %dma_start3A_113 : memref<1x5x128xi32, #tpu.memory_space<hbm>> -> memref<5x128xi32, #tpu.memory_space<hbm>>
      tpu.enqueue_dma source(%dma_start3A_114 : memref<5x128xi32, #tpu.memory_space<hbm>>) target(%arg5 : memref<5x128xi32, #tpu.memory_space<vmem>>) target_semaphore(%run_scoped3A : memref<!tpu.dma_semaphore, #tpu.memory_space<semaphore_mem>>)
      %dma_wait3A_115 = arith.constant 0 : i32
      %dma_wait3A_116 = arith.constant 0 : i32
      %dma_wait3A_117 = tpu.memref_slice %arg2[%add3A, %dma_wait3A_115, %dma_wait3A_116] : memref<32x5x128xi32, #tpu.memory_space<hbm>> -> memref<1x5x128xi32, #tpu.memory_space<hbm>>
      %dma_wait3A_118 = tpu.memref_squeeze %dma_wait3A_117 : memref<1x5x128xi32, #tpu.memory_space<hbm>> -> memref<5x128xi32, #tpu.memory_space<hbm>>
      %dma_wait3A_119 = arith.constant 0 : i32
      %dma_wait3A_120 = arith.constant 0 : i32
      %dma_wait3A_121 = tpu.memref_slice %arg2[%add3A, %dma_wait3A_119, %dma_wait3A_120] : memref<32x5x128xi32, #tpu.memory_space<hbm>> -> memref<1x5x128xi32, #tpu.memory_space<hbm>>
      %dma_wait3A_122 = tpu.memref_squeeze %dma_wait3A_121 : memref<1x5x128xi32, #tpu.memory_space<hbm>> -> memref<5x128xi32, #tpu.memory_space<hbm>>
      tpu.wait_dma2 semaphore(%run_scoped3A : memref<!tpu.dma_semaphore, #tpu.memory_space<semaphore_mem>>) src(%dma_wait3A_122 : memref<5x128xi32, #tpu.memory_space<hbm>>) dst(%arg5 : memref<5x128xi32, #tpu.memory_space<vmem>>)
      tpu.yield
    }) : () -> ()
    %dma_start3A = arith.constant 0 : i32
    %dma_start3A_1 = arith.constant 0 : i32
    %dma_start3A_2 = arith.constant 0 : i32
    %dma_start3A_3 = tpu.memref_slice %arg6[%dma_start3A_1, %dma_start3A_2] : memref<640x16xf32, #tpu.memory_space<vmem>> -> memref<128x16xf32, #tpu.memory_space<vmem>>
    %dma_start3A_4 = arith.constant 0 : i32
    %dma_start3A_5 = tpu.memref_slice %arg5[%dma_start3A, %dma_start3A_4] : memref<5x128xi32, #tpu.memory_space<vmem>> -> memref<1x128xi32, #tpu.memory_space<vmem>>
    %dma_start3A_6 = tpu.memref_squeeze %dma_start3A_5 : memref<1x128xi32, #tpu.memory_space<vmem>> -> memref<128xi32, #tpu.memory_space<vmem>>
    %dma_start3A_7 = arith.constant 0 : i32
    %dma_start3A_8 = arith.constant 0 : i32
    %dma_start3A_9 = tpu.memref_slice %arg3[%dma_start3A_7, %dma_start3A_8] : memref<100000x16xf32, #tpu.memory_space<hbm>> -> memref<100000x16xf32, #tpu.memory_space<hbm>>
    tpu.enqueue_indirect_dma source(%dma_start3A_9 : memref<100000x16xf32, #tpu.memory_space<hbm>>) target(%dma_start3A_3 : memref<128x16xf32, #tpu.memory_space<vmem>>) offsets(%dma_start3A_6 : memref<128xi32, #tpu.memory_space<vmem>>) semaphore(%arg8 : memref<!tpu.dma_semaphore, #tpu.memory_space<semaphore_mem>>)
    %dma_start3A_10 = arith.constant 1 : i32
    %dma_start3A_11 = arith.constant 128 : i32
    %dma_start3A_12 = arith.constant 0 : i32
    %dma_start3A_13 = tpu.memref_slice %arg6[%dma_start3A_11, %dma_start3A_12] : memref<640x16xf32, #tpu.memory_space<vmem>> -> memref<128x16xf32, #tpu.memory_space<vmem>>
    %dma_start3A_14 = arith.constant 0 : i32
    %dma_start3A_15 = tpu.memref_slice %arg5[%dma_start3A_10, %dma_start3A_14] : memref<5x128xi32, #tpu.memory_space<vmem>> -> memref<1x128xi32, #tpu.memory_space<vmem>>
    %dma_start3A_16 = tpu.memref_squeeze %dma_start3A_15 : memref<1x128xi32, #tpu.memory_space<vmem>> -> memref<128xi32, #tpu.memory_space<vmem>>
    %dma_start3A_17 = arith.constant 0 : i32
    %dma_start3A_18 = arith.constant 0 : i32
    %dma_start3A_19 = tpu.memref_slice %arg3[%dma_start3A_17, %dma_start3A_18] : memref<100000x16xf32, #tpu.memory_space<hbm>> -> memref<100000x16xf32, #tpu.memory_space<hbm>>
    tpu.enqueue_indirect_dma source(%dma_start3A_19 : memref<100000x16xf32, #tpu.memory_space<hbm>>) target(%dma_start3A_13 : memref<128x16xf32, #tpu.memory_space<vmem>>) offsets(%dma_start3A_16 : memref<128xi32, #tpu.memory_space<vmem>>) semaphore(%arg8 : memref<!tpu.dma_semaphore, #tpu.memory_space<semaphore_mem>>)
    %dma_start3A_20 = arith.constant 2 : i32
    %dma_start3A_21 = arith.constant 256 : i32
    %dma_start3A_22 = arith.constant 0 : i32
    %dma_start3A_23 = tpu.memref_slice %arg6[%dma_start3A_21, %dma_start3A_22] : memref<640x16xf32, #tpu.memory_space<vmem>> -> memref<128x16xf32, #tpu.memory_space<vmem>>
    %dma_start3A_24 = arith.constant 0 : i32
    %dma_start3A_25 = tpu.memref_slice %arg5[%dma_start3A_20, %dma_start3A_24] : memref<5x128xi32, #tpu.memory_space<vmem>> -> memref<1x128xi32, #tpu.memory_space<vmem>>
    %dma_start3A_26 = tpu.memref_squeeze %dma_start3A_25 : memref<1x128xi32, #tpu.memory_space<vmem>> -> memref<128xi32, #tpu.memory_space<vmem>>
    %dma_start3A_27 = arith.constant 0 : i32
    %dma_start3A_28 = arith.constant 0 : i32
    %dma_start3A_29 = tpu.memref_slice %arg3[%dma_start3A_27, %dma_start3A_28] : memref<100000x16xf32, #tpu.memory_space<hbm>> -> memref<100000x16xf32, #tpu.memory_space<hbm>>
    tpu.enqueue_indirect_dma source(%dma_start3A_29 : memref<100000x16xf32, #tpu.memory_space<hbm>>) target(%dma_start3A_23 : memref<128x16xf32, #tpu.memory_space<vmem>>) offsets(%dma_start3A_26 : memref<128xi32, #tpu.memory_space<vmem>>) semaphore(%arg8 : memref<!tpu.dma_semaphore, #tpu.memory_space<semaphore_mem>>)
    %dma_start3A_30 = arith.constant 3 : i32
    %dma_start3A_31 = arith.constant 384 : i32
    %dma_start3A_32 = arith.constant 0 : i32
    %dma_start3A_33 = tpu.memref_slice %arg6[%dma_start3A_31, %dma_start3A_32] : memref<640x16xf32, #tpu.memory_space<vmem>> -> memref<128x16xf32, #tpu.memory_space<vmem>>
    %dma_start3A_34 = arith.constant 0 : i32
    %dma_start3A_35 = tpu.memref_slice %arg5[%dma_start3A_30, %dma_start3A_34] : memref<5x128xi32, #tpu.memory_space<vmem>> -> memref<1x128xi32, #tpu.memory_space<vmem>>
    %dma_start3A_36 = tpu.memref_squeeze %dma_start3A_35 : memref<1x128xi32, #tpu.memory_space<vmem>> -> memref<128xi32, #tpu.memory_space<vmem>>
    %dma_start3A_37 = arith.constant 0 : i32
    %dma_start3A_38 = arith.constant 0 : i32
    %dma_start3A_39 = tpu.memref_slice %arg3[%dma_start3A_37, %dma_start3A_38] : memref<100000x16xf32, #tpu.memory_space<hbm>> -> memref<100000x16xf32, #tpu.memory_space<hbm>>
    tpu.enqueue_indirect_dma source(%dma_start3A_39 : memref<100000x16xf32, #tpu.memory_space<hbm>>) target(%dma_start3A_33 : memref<128x16xf32, #tpu.memory_space<vmem>>) offsets(%dma_start3A_36 : memref<128xi32, #tpu.memory_space<vmem>>) semaphore(%arg8 : memref<!tpu.dma_semaphore, #tpu.memory_space<semaphore_mem>>)
    %dma_start3A_40 = arith.constant 4 : i32
    %dma_start3A_41 = arith.constant 512 : i32
    %dma_start3A_42 = arith.constant 0 : i32
    %dma_start3A_43 = tpu.memref_slice %arg6[%dma_start3A_41, %dma_start3A_42] : memref<640x16xf32, #tpu.memory_space<vmem>> -> memref<128x16xf32, #tpu.memory_space<vmem>>
    %dma_start3A_44 = arith.constant 0 : i32
    %dma_start3A_45 = tpu.memref_slice %arg5[%dma_start3A_40, %dma_start3A_44] : memref<5x128xi32, #tpu.memory_space<vmem>> -> memref<1x128xi32, #tpu.memory_space<vmem>>
    %dma_start3A_46 = tpu.memref_squeeze %dma_start3A_45 : memref<1x128xi32, #tpu.memory_space<vmem>> -> memref<128xi32, #tpu.memory_space<vmem>>
    %dma_start3A_47 = arith.constant 0 : i32
    %dma_start3A_48 = arith.constant 0 : i32
    %dma_start3A_49 = tpu.memref_slice %arg3[%dma_start3A_47, %dma_start3A_48] : memref<100000x16xf32, #tpu.memory_space<hbm>> -> memref<100000x16xf32, #tpu.memory_space<hbm>>
    tpu.enqueue_indirect_dma source(%dma_start3A_49 : memref<100000x16xf32, #tpu.memory_space<hbm>>) target(%dma_start3A_43 : memref<128x16xf32, #tpu.memory_space<vmem>>) offsets(%dma_start3A_46 : memref<128xi32, #tpu.memory_space<vmem>>) semaphore(%arg8 : memref<!tpu.dma_semaphore, #tpu.memory_space<semaphore_mem>>)
    %dma_wait3A = arith.constant 0 : i32
    %dma_wait3A_50 = arith.constant 0 : i32
    %dma_wait3A_51 = arith.constant 0 : i32
    %dma_wait3A_52 = tpu.memref_slice %arg6[%dma_wait3A_50, %dma_wait3A_51] : memref<640x16xf32, #tpu.memory_space<vmem>> -> memref<128x16xf32, #tpu.memory_space<vmem>>
    %dma_wait3A_53 = arith.constant 0 : i32
    %dma_wait3A_54 = tpu.memref_slice %arg5[%dma_wait3A, %dma_wait3A_53] : memref<5x128xi32, #tpu.memory_space<vmem>> -> memref<1x128xi32, #tpu.memory_space<vmem>>
    %dma_wait3A_55 = tpu.memref_squeeze %dma_wait3A_54 : memref<1x128xi32, #tpu.memory_space<vmem>> -> memref<128xi32, #tpu.memory_space<vmem>>
    %dma_wait3A_56 = arith.constant 0 : i32
    %dma_wait3A_57 = arith.constant 0 : i32
    %dma_wait3A_58 = tpu.memref_slice %arg3[%dma_wait3A_56, %dma_wait3A_57] : memref<100000x16xf32, #tpu.memory_space<hbm>> -> memref<100000x16xf32, #tpu.memory_space<hbm>>
    tpu.wait_indirect_dma semaphore(%arg8 : memref<!tpu.dma_semaphore, #tpu.memory_space<semaphore_mem>>) src(%dma_wait3A_58 : memref<100000x16xf32, #tpu.memory_space<hbm>>) dst(%dma_wait3A_52 : memref<128x16xf32, #tpu.memory_space<vmem>>)
    %dma_wait3A_59 = arith.constant 1 : i32
    %dma_wait3A_60 = arith.constant 128 : i32
    %dma_wait3A_61 = arith.constant 0 : i32
    %dma_wait3A_62 = tpu.memref_slice %arg6[%dma_wait3A_60, %dma_wait3A_61] : memref<640x16xf32, #tpu.memory_space<vmem>> -> memref<128x16xf32, #tpu.memory_space<vmem>>
    %dma_wait3A_63 = arith.constant 0 : i32
    %dma_wait3A_64 = tpu.memref_slice %arg5[%dma_wait3A_59, %dma_wait3A_63] : memref<5x128xi32, #tpu.memory_space<vmem>> -> memref<1x128xi32, #tpu.memory_space<vmem>>
    %dma_wait3A_65 = tpu.memref_squeeze %dma_wait3A_64 : memref<1x128xi32, #tpu.memory_space<vmem>> -> memref<128xi32, #tpu.memory_space<vmem>>
    %dma_wait3A_66 = arith.constant 0 : i32
    %dma_wait3A_67 = arith.constant 0 : i32
    %dma_wait3A_68 = tpu.memref_slice %arg3[%dma_wait3A_66, %dma_wait3A_67] : memref<100000x16xf32, #tpu.memory_space<hbm>> -> memref<100000x16xf32, #tpu.memory_space<hbm>>
    tpu.wait_indirect_dma semaphore(%arg8 : memref<!tpu.dma_semaphore, #tpu.memory_space<semaphore_mem>>) src(%dma_wait3A_68 : memref<100000x16xf32, #tpu.memory_space<hbm>>) dst(%dma_wait3A_62 : memref<128x16xf32, #tpu.memory_space<vmem>>)
    %dma_wait3A_69 = arith.constant 2 : i32
    %dma_wait3A_70 = arith.constant 256 : i32
    %dma_wait3A_71 = arith.constant 0 : i32
    %dma_wait3A_72 = tpu.memref_slice %arg6[%dma_wait3A_70, %dma_wait3A_71] : memref<640x16xf32, #tpu.memory_space<vmem>> -> memref<128x16xf32, #tpu.memory_space<vmem>>
    %dma_wait3A_73 = arith.constant 0 : i32
    %dma_wait3A_74 = tpu.memref_slice %arg5[%dma_wait3A_69, %dma_wait3A_73] : memref<5x128xi32, #tpu.memory_space<vmem>> -> memref<1x128xi32, #tpu.memory_space<vmem>>
    %dma_wait3A_75 = tpu.memref_squeeze %dma_wait3A_74 : memref<1x128xi32, #tpu.memory_space<vmem>> -> memref<128xi32, #tpu.memory_space<vmem>>
    %dma_wait3A_76 = arith.constant 0 : i32
    %dma_wait3A_77 = arith.constant 0 : i32
    %dma_wait3A_78 = tpu.memref_slice %arg3[%dma_wait3A_76, %dma_wait3A_77] : memref<100000x16xf32, #tpu.memory_space<hbm>> -> memref<100000x16xf32, #tpu.memory_space<hbm>>
    tpu.wait_indirect_dma semaphore(%arg8 : memref<!tpu.dma_semaphore, #tpu.memory_space<semaphore_mem>>) src(%dma_wait3A_78 : memref<100000x16xf32, #tpu.memory_space<hbm>>) dst(%dma_wait3A_72 : memref<128x16xf32, #tpu.memory_space<vmem>>)
    %dma_wait3A_79 = arith.constant 3 : i32
    %dma_wait3A_80 = arith.constant 384 : i32
    %dma_wait3A_81 = arith.constant 0 : i32
    %dma_wait3A_82 = tpu.memref_slice %arg6[%dma_wait3A_80, %dma_wait3A_81] : memref<640x16xf32, #tpu.memory_space<vmem>> -> memref<128x16xf32, #tpu.memory_space<vmem>>
    %dma_wait3A_83 = arith.constant 0 : i32
    %dma_wait3A_84 = tpu.memref_slice %arg5[%dma_wait3A_79, %dma_wait3A_83] : memref<5x128xi32, #tpu.memory_space<vmem>> -> memref<1x128xi32, #tpu.memory_space<vmem>>
    %dma_wait3A_85 = tpu.memref_squeeze %dma_wait3A_84 : memref<1x128xi32, #tpu.memory_space<vmem>> -> memref<128xi32, #tpu.memory_space<vmem>>
    %dma_wait3A_86 = arith.constant 0 : i32
    %dma_wait3A_87 = arith.constant 0 : i32
    %dma_wait3A_88 = tpu.memref_slice %arg3[%dma_wait3A_86, %dma_wait3A_87] : memref<100000x16xf32, #tpu.memory_space<hbm>> -> memref<100000x16xf32, #tpu.memory_space<hbm>>
    tpu.wait_indirect_dma semaphore(%arg8 : memref<!tpu.dma_semaphore, #tpu.memory_space<semaphore_mem>>) src(%dma_wait3A_88 : memref<100000x16xf32, #tpu.memory_space<hbm>>) dst(%dma_wait3A_82 : memref<128x16xf32, #tpu.memory_space<vmem>>)
    %dma_wait3A_89 = arith.constant 4 : i32
    %dma_wait3A_90 = arith.constant 512 : i32
    %dma_wait3A_91 = arith.constant 0 : i32
    %dma_wait3A_92 = tpu.memref_slice %arg6[%dma_wait3A_90, %dma_wait3A_91] : memref<640x16xf32, #tpu.memory_space<vmem>> -> memref<128x16xf32, #tpu.memory_space<vmem>>
    %dma_wait3A_93 = arith.constant 0 : i32
    %dma_wait3A_94 = tpu.memref_slice %arg5[%dma_wait3A_89, %dma_wait3A_93] : memref<5x128xi32, #tpu.memory_space<vmem>> -> memref<1x128xi32, #tpu.memory_space<vmem>>
    %dma_wait3A_95 = tpu.memref_squeeze %dma_wait3A_94 : memref<1x128xi32, #tpu.memory_space<vmem>> -> memref<128xi32, #tpu.memory_space<vmem>>
    %dma_wait3A_96 = arith.constant 0 : i32
    %dma_wait3A_97 = arith.constant 0 : i32
    %dma_wait3A_98 = tpu.memref_slice %arg3[%dma_wait3A_96, %dma_wait3A_97] : memref<100000x16xf32, #tpu.memory_space<hbm>> -> memref<100000x16xf32, #tpu.memory_space<hbm>>
    tpu.wait_indirect_dma semaphore(%arg8 : memref<!tpu.dma_semaphore, #tpu.memory_space<semaphore_mem>>) src(%dma_wait3A_98 : memref<100000x16xf32, #tpu.memory_space<hbm>>) dst(%dma_wait3A_92 : memref<128x16xf32, #tpu.memory_space<vmem>>)
    %scan3A = arith.constant 0 : i32
    %scan3A_99 = arith.constant 0 : i32
    %scan3A_100 = arith.constant 32 : i32
    %scan3A_101 = arith.addi %scan3A_99, %scan3A_100 : i32
    %scan3A_102 = arith.constant 1 : i32
    %scan3A_103 = scf.for %scan3A_107 = %scan3A_99 to %scan3A_101 step %scan3A_102 iter_args(%scan3A_108 = %scan3A) -> (i32)  : i32 {
      %mul3A_109 = arith.constant 20 : i32
      %mul3A_110 = arith.muli %scan3A_107, %mul3A_109 : i32
      %get3A = arith.index_cast %mul3A_110 : i32 to index
      %get3A_111 = arith.constant 0 : index
      %get3A_112 = tpu.vector_load %arg6[%get3A, %get3A_111] {strides = array<i32>} : memref<640x16xf32, #tpu.memory_space<vmem>>, vector<1x16xf32>,
      %get3A_113 = vector.shape_cast %get3A_112 : vector<1x16xf32> to vector<16xf32>
      %add3A_114 = arith.constant 1 : i32
      %add3A_115 = arith.addi %mul3A_110, %add3A_114 : i32
      %get3A_116 = arith.index_cast %add3A_115 : i32 to index
      %get3A_117 = arith.constant 0 : index
      %get3A_118 = tpu.vector_load %arg6[%get3A_116, %get3A_117] {strides = array<i32>} : memref<640x16xf32, #tpu.memory_space<vmem>>, vector<1x16xf32>,
      %get3A_119 = vector.shape_cast %get3A_118 : vector<1x16xf32> to vector<16xf32>
      %add3A_120 = arith.addf %get3A_113, %get3A_119 : vector<16xf32>
      %add3A_121 = arith.constant 2 : i32
      %add3A_122 = arith.addi %mul3A_110, %add3A_121 : i32
      %get3A_123 = arith.index_cast %add3A_122 : i32 to index
      %get3A_124 = arith.constant 0 : index
      %get3A_125 = tpu.vector_load %arg6[%get3A_123, %get3A_124] {strides = array<i32>} : memref<640x16xf32, #tpu.memory_space<vmem>>, vector<1x16xf32>,
      %get3A_126 = vector.shape_cast %get3A_125 : vector<1x16xf32> to vector<16xf32>
      %add3A_127 = arith.addf %add3A_120, %get3A_126 : vector<16xf32>
      %add3A_128 = arith.constant 3 : i32
      %add3A_129 = arith.addi %mul3A_110, %add3A_128 : i32
      %get3A_130 = arith.index_cast %add3A_129 : i32 to index
      %get3A_131 = arith.constant 0 : index
      %get3A_132 = tpu.vector_load %arg6[%get3A_130, %get3A_131] {strides = array<i32>} : memref<640x16xf32, #tpu.memory_space<vmem>>, vector<1x16xf32>,
      %get3A_133 = vector.shape_cast %get3A_132 : vector<1x16xf32> to vector<16xf32>
      %add3A_134 = arith.addf %add3A_127, %get3A_133 : vector<16xf32>
      %add3A_135 = arith.constant 4 : i32
      %add3A_136 = arith.addi %mul3A_110, %add3A_135 : i32
      %get3A_137 = arith.index_cast %add3A_136 : i32 to index
      %get3A_138 = arith.constant 0 : index
      %get3A_139 = tpu.vector_load %arg6[%get3A_137, %get3A_138] {strides = array<i32>} : memref<640x16xf32, #tpu.memory_space<vmem>>, vector<1x16xf32>,
      %get3A_140 = vector.shape_cast %get3A_139 : vector<1x16xf32> to vector<16xf32>
      %add3A_141 = arith.addf %add3A_134, %get3A_140 : vector<16xf32>
      %add3A_142 = arith.constant 5 : i32
      %add3A_143 = arith.addi %mul3A_110, %add3A_142 : i32
      %get3A_144 = arith.index_cast %add3A_143 : i32 to index
      %get3A_145 = arith.constant 0 : index
      %get3A_146 = tpu.vector_load %arg6[%get3A_144, %get3A_145] {strides = array<i32>} : memref<640x16xf32, #tpu.memory_space<vmem>>, vector<1x16xf32>,
      %get3A_147 = vector.shape_cast %get3A_146 : vector<1x16xf32> to vector<16xf32>
      %add3A_148 = arith.addf %add3A_141, %get3A_147 : vector<16xf32>
      %add3A_149 = arith.constant 6 : i32
      %add3A_150 = arith.addi %mul3A_110, %add3A_149 : i32
      %get3A_151 = arith.index_cast %add3A_150 : i32 to index
      %get3A_152 = arith.constant 0 : index
      %get3A_153 = tpu.vector_load %arg6[%get3A_151, %get3A_152] {strides = array<i32>} : memref<640x16xf32, #tpu.memory_space<vmem>>, vector<1x16xf32>,
      %get3A_154 = vector.shape_cast %get3A_153 : vector<1x16xf32> to vector<16xf32>
      %add3A_155 = arith.addf %add3A_148, %get3A_154 : vector<16xf32>
      %add3A_156 = arith.constant 7 : i32
      %add3A_157 = arith.addi %mul3A_110, %add3A_156 : i32
      %get3A_158 = arith.index_cast %add3A_157 : i32 to index
      %get3A_159 = arith.constant 0 : index
      %get3A_160 = tpu.vector_load %arg6[%get3A_158, %get3A_159] {strides = array<i32>} : memref<640x16xf32, #tpu.memory_space<vmem>>, vector<1x16xf32>,
      %get3A_161 = vector.shape_cast %get3A_160 : vector<1x16xf32> to vector<16xf32>
      %add3A_162 = arith.addf %add3A_155, %get3A_161 : vector<16xf32>
      %add3A_163 = arith.constant 8 : i32
      %add3A_164 = arith.addi %mul3A_110, %add3A_163 : i32
      %get3A_165 = arith.index_cast %add3A_164 : i32 to index
      %get3A_166 = arith.constant 0 : index
      %get3A_167 = tpu.vector_load %arg6[%get3A_165, %get3A_166] {strides = array<i32>} : memref<640x16xf32, #tpu.memory_space<vmem>>, vector<1x16xf32>,
      %get3A_168 = vector.shape_cast %get3A_167 : vector<1x16xf32> to vector<16xf32>
      %add3A_169 = arith.addf %add3A_162, %get3A_168 : vector<16xf32>
      %add3A_170 = arith.constant 9 : i32
      %add3A_171 = arith.addi %mul3A_110, %add3A_170 : i32
      %get3A_172 = arith.index_cast %add3A_171 : i32 to index
      %get3A_173 = arith.constant 0 : index
      %get3A_174 = tpu.vector_load %arg6[%get3A_172, %get3A_173] {strides = array<i32>} : memref<640x16xf32, #tpu.memory_space<vmem>>, vector<1x16xf32>,
      %get3A_175 = vector.shape_cast %get3A_174 : vector<1x16xf32> to vector<16xf32>
      %add3A_176 = arith.addf %add3A_169, %get3A_175 : vector<16xf32>
      %add3A_177 = arith.constant 10 : i32
      %add3A_178 = arith.addi %mul3A_110, %add3A_177 : i32
      %get3A_179 = arith.index_cast %add3A_178 : i32 to index
      %get3A_180 = arith.constant 0 : index
      %get3A_181 = tpu.vector_load %arg6[%get3A_179, %get3A_180] {strides = array<i32>} : memref<640x16xf32, #tpu.memory_space<vmem>>, vector<1x16xf32>,
      %get3A_182 = vector.shape_cast %get3A_181 : vector<1x16xf32> to vector<16xf32>
      %add3A_183 = arith.addf %add3A_176, %get3A_182 : vector<16xf32>
      %add3A_184 = arith.constant 11 : i32
      %add3A_185 = arith.addi %mul3A_110, %add3A_184 : i32
      %get3A_186 = arith.index_cast %add3A_185 : i32 to index
      %get3A_187 = arith.constant 0 : index
      %get3A_188 = tpu.vector_load %arg6[%get3A_186, %get3A_187] {strides = array<i32>} : memref<640x16xf32, #tpu.memory_space<vmem>>, vector<1x16xf32>,
      %get3A_189 = vector.shape_cast %get3A_188 : vector<1x16xf32> to vector<16xf32>
      %add3A_190 = arith.addf %add3A_183, %get3A_189 : vector<16xf32>
      %add3A_191 = arith.constant 12 : i32
      %add3A_192 = arith.addi %mul3A_110, %add3A_191 : i32
      %get3A_193 = arith.index_cast %add3A_192 : i32 to index
      %get3A_194 = arith.constant 0 : index
      %get3A_195 = tpu.vector_load %arg6[%get3A_193, %get3A_194] {strides = array<i32>} : memref<640x16xf32, #tpu.memory_space<vmem>>, vector<1x16xf32>,
      %get3A_196 = vector.shape_cast %get3A_195 : vector<1x16xf32> to vector<16xf32>
      %add3A_197 = arith.addf %add3A_190, %get3A_196 : vector<16xf32>
      %add3A_198 = arith.constant 13 : i32
      %add3A_199 = arith.addi %mul3A_110, %add3A_198 : i32
      %get3A_200 = arith.index_cast %add3A_199 : i32 to index
      %get3A_201 = arith.constant 0 : index
      %get3A_202 = tpu.vector_load %arg6[%get3A_200, %get3A_201] {strides = array<i32>} : memref<640x16xf32, #tpu.memory_space<vmem>>, vector<1x16xf32>,
      %get3A_203 = vector.shape_cast %get3A_202 : vector<1x16xf32> to vector<16xf32>
      %add3A_204 = arith.addf %add3A_197, %get3A_203 : vector<16xf32>
      %add3A_205 = arith.constant 14 : i32
      %add3A_206 = arith.addi %mul3A_110, %add3A_205 : i32
      %get3A_207 = arith.index_cast %add3A_206 : i32 to index
      %get3A_208 = arith.constant 0 : index
      %get3A_209 = tpu.vector_load %arg6[%get3A_207, %get3A_208] {strides = array<i32>} : memref<640x16xf32, #tpu.memory_space<vmem>>, vector<1x16xf32>,
      %get3A_210 = vector.shape_cast %get3A_209 : vector<1x16xf32> to vector<16xf32>
      %add3A_211 = arith.addf %add3A_204, %get3A_210 : vector<16xf32>
      %add3A_212 = arith.constant 15 : i32
      %add3A_213 = arith.addi %mul3A_110, %add3A_212 : i32
      %get3A_214 = arith.index_cast %add3A_213 : i32 to index
      %get3A_215 = arith.constant 0 : index
      %get3A_216 = tpu.vector_load %arg6[%get3A_214, %get3A_215] {strides = array<i32>} : memref<640x16xf32, #tpu.memory_space<vmem>>, vector<1x16xf32>,
      %get3A_217 = vector.shape_cast %get3A_216 : vector<1x16xf32> to vector<16xf32>
      %add3A_218 = arith.addf %add3A_211, %get3A_217 : vector<16xf32>
      %add3A_219 = arith.constant 16 : i32
      %add3A_220 = arith.addi %mul3A_110, %add3A_219 : i32
      %get3A_221 = arith.index_cast %add3A_220 : i32 to index
      %get3A_222 = arith.constant 0 : index
      %get3A_223 = tpu.vector_load %arg6[%get3A_221, %get3A_222] {strides = array<i32>} : memref<640x16xf32, #tpu.memory_space<vmem>>, vector<1x16xf32>,
      %get3A_224 = vector.shape_cast %get3A_223 : vector<1x16xf32> to vector<16xf32>
      %add3A_225 = arith.addf %add3A_218, %get3A_224 : vector<16xf32>
      %add3A_226 = arith.constant 17 : i32
      %add3A_227 = arith.addi %mul3A_110, %add3A_226 : i32
      %get3A_228 = arith.index_cast %add3A_227 : i32 to index
      %get3A_229 = arith.constant 0 : index
      %get3A_230 = tpu.vector_load %arg6[%get3A_228, %get3A_229] {strides = array<i32>} : memref<640x16xf32, #tpu.memory_space<vmem>>, vector<1x16xf32>,
      %get3A_231 = vector.shape_cast %get3A_230 : vector<1x16xf32> to vector<16xf32>
      %add3A_232 = arith.addf %add3A_225, %get3A_231 : vector<16xf32>
      %add3A_233 = arith.constant 18 : i32
      %add3A_234 = arith.addi %mul3A_110, %add3A_233 : i32
      %get3A_235 = arith.index_cast %add3A_234 : i32 to index
      %get3A_236 = arith.constant 0 : index
      %get3A_237 = tpu.vector_load %arg6[%get3A_235, %get3A_236] {strides = array<i32>} : memref<640x16xf32, #tpu.memory_space<vmem>>, vector<1x16xf32>,
      %get3A_238 = vector.shape_cast %get3A_237 : vector<1x16xf32> to vector<16xf32>
      %add3A_239 = arith.addf %add3A_232, %get3A_238 : vector<16xf32>
      %add3A_240 = arith.constant 19 : i32
      %add3A_241 = arith.addi %mul3A_110, %add3A_240 : i32
      %get3A_242 = arith.index_cast %add3A_241 : i32 to index
      %get3A_243 = arith.constant 0 : index
      %get3A_244 = tpu.vector_load %arg6[%get3A_242, %get3A_243] {strides = array<i32>} : memref<640x16xf32, #tpu.memory_space<vmem>>, vector<1x16xf32>,
      %get3A_245 = vector.shape_cast %get3A_244 : vector<1x16xf32> to vector<16xf32>
      %add3A_246 = arith.addf %add3A_239, %get3A_245 : vector<16xf32>
      %mul3A_247 = arith.constant 5.000000e-02 : f32
      %mul3A_248 = vector.broadcast %mul3A_247 : f32 to vector<16xf32>
      %mul3A_249 = arith.mulf %add3A_246, %mul3A_248 : vector<16xf32>
      %swap3A = arith.index_cast %scan3A_107 : i32 to index
      %swap3A_250 = arith.constant 0 : index
      %swap3A_251 = tpu.vector_load %arg7[%swap3A, %swap3A_250] {strides = array<i32>} : memref<32x16xf32, #tpu.memory_space<vmem>>, vector<1x16xf32>,
      %swap3A_252 = vector.shape_cast %swap3A_251 : vector<1x16xf32> to vector<16xf32>
      %swap3A_253 = vector.shape_cast %mul3A_249 : vector<16xf32> to vector<1x16xf32>
      tpu.vector_store %arg7[%swap3A, %swap3A_250], %swap3A_253 {strides = array<i32>} : memref<32x16xf32, #tpu.memory_space<vmem>>, vector<1x16xf32>,
      %scan3A_254 = arith.constant 0 : i32
      scf.yield %scan3A_254 : i32
    }
    %scan3A_104 = arith.constant 32 : i32
    %mul3A_105 = arith.constant 32 : i32
    %mul3A_106 = arith.muli %add3A, %mul3A_105 : i32
    "tpu.region"() ({
      %run_scoped3A = tpu.sem_alloc : memref<!tpu.dma_semaphore, #tpu.memory_space<semaphore_mem>>
      %dma_start3A_107 = arith.constant 0 : i32
      %dma_start3A_108 = tpu.memref_slice %arg4[%mul3A_106, %dma_start3A_107] : memref<1024x16xf32, #tpu.memory_space<hbm>> -> memref<32x16xf32, #tpu.memory_space<hbm>>
      %dma_start3A_109 = arith.constant 0 : i32
      %dma_start3A_110 = tpu.memref_slice %arg4[%mul3A_106, %dma_start3A_109] : memref<1024x16xf32, #tpu.memory_space<hbm>> -> memref<32x16xf32, #tpu.memory_space<hbm>>
      tpu.enqueue_dma source(%arg7 : memref<32x16xf32, #tpu.memory_space<vmem>>) target(%dma_start3A_110 : memref<32x16xf32, #tpu.memory_space<hbm>>) target_semaphore(%run_scoped3A : memref<!tpu.dma_semaphore, #tpu.memory_space<semaphore_mem>>)
      %dma_wait3A_111 = arith.constant 0 : i32
      %dma_wait3A_112 = tpu.memref_slice %arg4[%mul3A_106, %dma_wait3A_111] : memref<1024x16xf32, #tpu.memory_space<hbm>> -> memref<32x16xf32, #tpu.memory_space<hbm>>
      %dma_wait3A_113 = arith.constant 0 : i32
      %dma_wait3A_114 = tpu.memref_slice %arg4[%mul3A_106, %dma_wait3A_113] : memref<1024x16xf32, #tpu.memory_space<hbm>> -> memref<32x16xf32, #tpu.memory_space<hbm>>
      tpu.wait_dma2 semaphore(%run_scoped3A : memref<!tpu.dma_semaphore, #tpu.memory_space<semaphore_mem>>) src(%arg7 : memref<32x16xf32, #tpu.memory_space<vmem>>) dst(%dma_wait3A_114 : memref<32x16xf32, #tpu.memory_space<hbm>>)
      tpu.yield
    }) : () -> ()
    return
  }
}

module attributes {stable_mosaic.version = 14 : i64} {
  func.func @_mm_body(%arg0: i32, %arg1: memref<16x2048xf32, #tpu.memory_space<vmem>>, %arg2: memref<1024x16xf32, #tpu.memory_space<vmem>>, %arg3: memref<1x2048xf32, #tpu.memory_space<vmem>>, %arg4: memref<2048x1024xf32, #tpu.memory_space<vmem>>) attributes {dimension_semantics = [#tpu.dimension_semantics<arbitrary>], iteration_bounds = array<i64: 49>, scalar_prefetch = 0 : i64, scratch_operands = 0 : i64, tpu.core_type = #tpu.core_type<tc>, window_params = [{transform_indices = @transform_0, window_bounds = array<i64: 16, 2048>}, {pipeline_mode = #tpu.pipeline_mode<synchronous>, transform_indices = @transform_1, window_bounds = array<i64: 1024, 16>}, {transform_indices = @transform_2, window_bounds = array<i64: 1, 2048>}, {transform_indices = @transform_3, window_bounds = array<i64: 2048, 1024>}]} {
    %get3A = arith.constant 0 : index
    %get3A_0 = arith.constant 0 : index
    %get3A_1 = vector.load %arg1[%get3A, %get3A_0] : memref<16x2048xf32, #tpu.memory_space<vmem>>, vector<16x2048xf32>
    %get3A_2 = arith.constant 0 : index
    %get3A_3 = arith.constant 0 : index
    %get3A_4 = vector.load %arg2[%get3A_2, %get3A_3] : memref<1024x16xf32, #tpu.memory_space<vmem>>, vector<1024x16xf32>
    %dot_general3A = arith.constant dense<0.000000e+00> : vector<2048x1024xf32>
    %dot_general3A_5 = tpu.matmul %get3A_1, %get3A_4, %dot_general3A {dimension_numbers = #tpu.dot_dimension_numbers<[0], [1], [1], [0], [0, 1, 1, 0], [], []>, transpose_lhs_hint = false} : vector<16x2048xf32>, vector<1024x16xf32>, vector<2048x1024xf32> -> vector<2048x1024xf32>
    %get3A_6 = arith.constant 0 : index
    %get3A_7 = arith.constant 0 : index
    %get3A_8 = vector.load %arg3[%get3A_6, %get3A_7] : memref<1x2048xf32, #tpu.memory_space<vmem>>, vector<1x2048xf32>
    %transpose3A = tpu.transpose %get3A_8, [1, 0] : vector<1x2048xf32> -> vector<2048x1xf32>
    %add3A = vector.broadcast %transpose3A : vector<2048x1xf32> to vector<2048x1024xf32>
    %add3A_9 = arith.addf %dot_general3A_5, %add3A : vector<2048x1024xf32>
    %swap3A = arith.constant 0 : index
    %swap3A_10 = arith.constant 0 : index
    %swap3A_11 = vector.load %arg4[%swap3A, %swap3A_10] : memref<2048x1024xf32, #tpu.memory_space<vmem>>, vector<2048x1024xf32>
    tpu.vector_store %arg4[%swap3A, %swap3A_10], %add3A_9 {strides = array<i32>} : memref<2048x1024xf32, #tpu.memory_space<vmem>>, vector<2048x1024xf32>,
    return
  }
  func.func @transform_0(%arg0: i32) -> (i32, i32) {
    %c0_i32 = arith.constant 0 : i32
    %c0_i32_0 = arith.constant 0 : i32
    return %c0_i32, %arg0 : i32, i32
  }
  func.func @transform_1(%arg0: i32) -> (i32, i32) {
    %c0_i32 = arith.constant 0 : i32
    %c0_i32_0 = arith.constant 0 : i32
    %c0_i32_1 = arith.constant 0 : i32
    return %c0_i32, %c0_i32_0 : i32, i32
  }
  func.func @transform_2(%arg0: i32) -> (i32, i32) {
    %c0_i32 = arith.constant 0 : i32
    %c0_i32_0 = arith.constant 0 : i32
    return %c0_i32, %arg0 : i32, i32
  }
  func.func @transform_3(%arg0: i32) -> (i32, i32) {
    %c0_i32 = arith.constant 0 : i32
    %c0_i32_0 = arith.constant 0 : i32
    return %arg0, %c0_i32 : i32, i32
  }
}

</mosaic_0001>

<sc_bundles>
// kernel: kernel.4.cloned.1.call-start
scs
__scs_entry_jumppad:
0x0: {  	(pc) =	sbr.rel $0x88, $3  }
0x1: {  	(tag) =	ssettag $0x0;
	lr =	simm.s32 $0x1  }
0x2: {  	[smem:$0x3F9D] =	sst lr;
	_ =	strace $0xD0000000  }
0x3: {  	_ = 	snop  }
0x4: {  	_ = 	snop  }
0x5: {  	_ = 	snop  }
0x6: {  	_ = 	snop  }
0x7: {  	_ = 	snop  }
__scs_overlays_trampoline_lowered:
0x8: {  	[smem:$0x3FAC] =	sst s0  }
0x9: {  	[smem:$0x3FAD] =	sst s1  }
0xa: {  	[smem:$0x3FAE] =	sst s2  }
0xb: {  	[smem:$0x3FAF] =	sst s3  }
0xc: {  	[smem:$0x3FB0] =	sst s4  }
0xd: {  	[smem:$0x3FB1] =	sst s5  }
0xe: {  	[smem:$0x3FB2] =	sst s6  }
0xf: {  	[smem:$0x3FB3] =	sst s7  }
0x10: {  	[smem:$0x3FB4] =	sst s8  }
0x11: {  	[smem:$0x3FB5] =	sst s9;
	s0 =	simm.s32 @!p0 $0x0  }
0x12: {  	s1 =	sld [smem:$0x3F9B];
	s0 =	simm.s32 @p0 $0x1  }
0x13: {  	[smem:$0x3FB6] =	sst s0;
	s0 =	simm.s32 @!p1 $0x0  }
0x14: {  	s2 =	sld [smem:$0x3F9A];
	s0 =	simm.s32 @p1 $0x1  }
0x15: {  	[smem:$0x3FB7] =	sst s0;
	s0 =	simm.s32 @!p2 $0x0  }
0x16: {  	s3 =	sld [smem:$0x3FDB];
	s0 =	simm.s32 @p2 $0x1  }
0x17: {  	s4 =	simm.s32 $0x1BF5;
	[smem:$0x3FB9] =	sst s0  }
0x18: {  	s0 =	sld [smem:$0x3F9C];
	_ =	swait.ge [sflag:s4], $0x0  }
0x19: {  	s7 =	sld [smem:$0x3F9D]  }
0x1a: {  	s8 =	sadd.s32 $0xFFFFE003, lr  }
0x1b: {  	s9 =	sadd.s32 $0xFFFFFEF7, lr;
	s5 =	simm.s32 $0xFFFFFFFF;
	p2 =	slt.u32 s8, $0xFFFFF086  }
0x1c: {  	p1 =	slt.u32 s9, $0xF7A;
	s5 =	simm.s32 @!p2 $0x0  }
0x1d: {  	s5 =	simm.s32 @p1 $0x1;
	p0 =	seq.s32 s7, s2  }
0x1e: {  	s7 =	smul.u32 @!p0 $0xF7A, s2;
	p2 =	seq.s32 @!p0 s5, $0x0  }
0x1f: {  	s9 =	smul.u32 $0xF7A, s1;
	s8 =	simm.s32 @!p0 $0x1BF5;
	p2 =	por !p2, p0  }
0x20: {  	[sflag:s8] =	ssyncset.s32 @!p0 $0xFFFFF086;
	s6 =	sadd.s32 @!p0 s3, s7;
	s7 =	simm.s32 @!p0 $0x108  }
0x21: {  	s3 =	sadd.s32 s3, s9;
	s6 =	sadd.s32 @!p0 $0x88, s6;
	s7 =	simm.s32 @p2 $0x1082  }
0x22: {  	[simem:s7], [sflag:s8] =	dma.local @!p0 [hbm:s6], $0xF7A  }
0x23: {  	s9 =	sor.u32 $0xD0000000, s2;
	s6 =	simm.s32 $0x108;
	_ =	swait.ge @!p0 [sflag:s8], $0x0  }
0x24: {  	s3 =	sadd.s32 $0x88, s3;
	s6 =	simm.s32 @!p1 $0x1082;
	[sflag:s4] =	ssyncset.s32 $0xFFFFF086  }
0x25: {  	[simem:s6], [sflag:s4] =	dma.local [hbm:s3], $0xF7A  }
0x26: {  	[smem:$0x3F9D] =	sst s1;
	(tag) =	ssettag s2;
	_ =	strace s9  }
0x27: {  	s1 =	sld [smem:$0x3FAD]  }
0x28: {  	s2 =	sld [smem:$0x3FAE]  }
0x29: {  	s4 =	sld [smem:$0x3FB0]  }
0x2a: {  	p0 =	seq.s32 s5, $0x0;
	s5 =	sld [smem:$0x3FB1]  }
0x2b: {  	s6 =	sld [smem:$0x3FB2]  }
0x2c: {  	s7 =	sld [smem:$0x3FB3]  }
0x2d: {  	s3 =	simm.s32 $0x108;
	s8 =	sld [smem:$0x3FB4]  }
0x2e: {  	s3 =	simm.s32 @!p0 $0x1082;
	s9 =	sld [smem:$0x3FB5]  }
0x2f: {  	lr =	sadd.s32 s0, s3;
	s0 =	sld [smem:$0x3FAC]  }
0x30: {  	s3 =	sld [smem:$0x3FAF]  }
0x31: {  	[smem:$0x3FB8] =	sst s10  }
0x32: {  	s10 =	sld [smem:$0x3FB6];
	_ =	sdelay $0x3  }
0x33: {  	p0 =	seq.s32 s10, $0x1;
	s10 =	sld [smem:$0x3FB8];
	_ =	sdelay $0x3  }
0x34: {  	[smem:$0x3FB8] =	sst s10  }
0x35: {  	s10 =	sld [smem:$0x3FB7];
	_ =	sdelay $0x3  }
0x36: {  	p1 =	seq.s32 s10, $0x1;
	s10 =	sld [smem:$0x3FB8];
	_ =	sdelay $0x3  }
0x37: {  	[smem:$0x3FB8] =	sst s10  }
0x38: {  	s10 =	sld [smem:$0x3FB9]  }
0x39: {  	_ = 	snop;
	(pc) =	sbr.ind lr, $3  }
0x3a: {  	_ = 	snop  }
0x3b: {  	_ = 	snop  }
0x3c: {  	p2 =	seq.s32 s10, $0x1;
	s10 =	sld [smem:$0x3FB8]  }
0x3d: {  	_ =	shalt  }
0x3e: {  	_ =	shalt  }
0x3f: {  	_ =	shalt  }
0x40: {  	_ =	shalt  }
0x41: {  	_ =	shalt  }
0x42: {  	_ =	shalt  }
0x43: {  	_ =	shalt  }
0x44: {  	_ =	shalt  }
0x45: {  	_ =	shalt  }
0x46: {  	_ =	shalt  }
0x47: {  	_ =	shalt  }
0x48: {  	_ =	shalt  }
0x49: {  	_ =	shalt  }
0x4a: {  	_ =	shalt  }
0x4b: {  	_ =	shalt  }
0x4c: {  	_ =	shalt  }
0x4d: {  	_ =	shalt  }
0x4e: {  	_ =	shalt  }
0x4f: {  	_ =	shalt  }
0x50: {  	_ =	shalt  }
0x51: {  	_ =	shalt  }
0x52: {  	_ =	shalt  }
0x53: {  	_ =	shalt  }
0x54: {  	_ =	shalt  }
0x55: {  	_ =	shalt  }
0x56: {  	_ =	shalt  }
0x57: {  	_ =	shalt  }
0x58: {  	_ =	shalt  }
0x59: {  	_ =	shalt  }
0x5a: {  	_ =	shalt  }
0x5b: {  	_ =	shalt  }
0x5c: {  	_ =	shalt  }
0x5d: {  	_ =	shalt  }
0x5e: {  	_ =	shalt  }
0x5f: {  	_ =	shalt  }
0x60: {  	_ =	shalt  }
0x61: {  	_ =	shalt  }
0x62: {  	_ =	shalt  }
0x63: {  	_ =	shalt  }
0x64: {  	_ =	shalt  }
0x65: {  	_ =	shalt  }
0x66: {  	_ =	shalt  }
0x67: {  	_ =	shalt  }
0x68: {  	_ =	shalt  }
0x69: {  	_ =	shalt  }
0x6a: {  	_ =	shalt  }
0x6b: {  	_ =	shalt  }
0x6c: {  	_ =	shalt  }
0x6d: {  	_ =	shalt  }
0x6e: {  	_ =	shalt  }
0x6f: {  	_ =	shalt  }
0x70: {  	_ =	shalt  }
0x71: {  	_ =	shalt  }
0x72: {  	_ =	shalt  }
0x73: {  	_ =	shalt  }
0x74: {  	_ =	shalt  }
0x75: {  	_ =	shalt  }
0x76: {  	_ =	shalt  }
0x77: {  	_ =	shalt  }
0x78: {  	_ =	shalt  }
0x79: {  	_ =	shalt  }
0x7a: {  	_ =	shalt  }
0x7b: {  	_ =	shalt  }
0x7c: {  	_ =	shalt  }
0x7d: {  	_ =	shalt  }
0x7e: {  	_ =	shalt  }
0x7f: {  	_ =	shalt  }
0x80: {  	_ =	shalt  }
0x81: {  	_ =	shalt  }
0x82: {  	_ =	shalt  }
0x83: {  	_ =	shalt  }
0x84: {  	_ =	shalt  }
0x85: {  	_ =	shalt  }
0x86: {  	_ =	shalt  }
0x87: {  	_ =	shalt  }
.Lfunc_end0:
.L_simem_size_0:
called_computation_lowered:
.L_overlay_start_0:
0x88: {  	s2 =	sld [smem:$0x3FD9]  }
0x89: {  	s3 =	sld [smem:$0x3FFE];
	_ =	sdelay $0x1  }
0x8a: {  	s1 =	srdreg.scid  }
0x8b: {  	s0 =	sand.u32 $0x1, s1  }
0x8c: {  	s17 =	sshll.u32 s0, $0xA;
	s2 =	sadd.s32 s3, s2  }
0x8d: {  	s2 =	sadd.s32 s2, s17  }
0x8e: {  	[smem:$0x3FC4] =	sst s2  }
0x8f: {  	_ = 	snop  }
0x90: {  	s2 =	sld [smem:$0x3FD0];
	(tm) =	ssettm $0x1  }
0x91: {  	s18 =	sld [smem:$0x3FFB];
	_ =	sdelay $0x3  }
0x92: {  	_ =	strace s18  }
0x93: {  	s3 =	sld [smem:$0x3FFC];
	_ =	sdelay $0x3  }
0x94: {  	_ =	strace s3  }
0x95: {  	s3 =	sld [smem:$0x3FFD];
	_ =	sdelay $0x3  }
0x96: {  	_ =	strace s3  }
0x97: {  	_ =	strace $0x8FFFFFFF  }
0x98: {  	s19 =	sld [smem:$0x3FDB];
	_ =	sdelay $0x1  }
0x99: {  	s4 =	simm.s32 $_scs_section_size  }
0x9a: {  	s5 =	simm.s32 $_size__tile_overlayer_lowered;
	s6 =	simm.s32 $_tile_overlayer_lowered  }
0x9b: {  	s22 =	simm.s32 $0x1BFF;
	s21 =	sshll.u32 s6, $0x1;
	s3 =	sadd.s32 s4, s19  }
0x9c: {  	s7 =	simm.s32 $0x0;
	s20 =	sshll.u32 s5, $0x1;
	s5 =	sadd.s32 s21, s3  }
0x9d: {  	[timem:s7], [sflag:s22] =	dma.local [hbm:s5], s20  }
0x9e: {  	_ =	swait.ge [sflag:s22], s20  }
0x9f: {  	s4 =	ssub.s32 $0x0, s20;
	[sflag:s22] =	ssyncset.done $0x0  }
0xa0: {  	[sflag:s22] =	ssyncadd.s32 s4;
	_ =	sdelay $0x1  }
0xa1: {  	s23 =	simm.s32 $0x1B8B  }
0xa2: {  	_ =	swait.ge [sflag:s23], $0x1  }
0xa3: {  	[sflag:s23] =	ssyncset.done $0x0  }
0xa4: {  	s25 =	simm.s32 $0x1B8E;
	s24 =	sld [smem:$0x3FFE];
	[sflag:s23] =	ssyncadd.s32 $0xFFFFFFFF  }
0xa5: {  	s26 =	simm.s32 $execute0_lowered;
	[smem:$0x3FD2] =	sst s25  }
0xa6: {  	s5 =	sshll.u32 s26, $0x1;
	_ =	strace $0x80000046;
	[dreg:$0x1] =	wrdreg $0xFFFFFFFF  }
0xa7: {  	s28 =	simm.s32 $_size_execute0_lowered;
	s3 =	sadd.s32 s3, s5;
	[dreg:$0x0] =	wrdreg $0x0  }
0xa8: {  	s5 =	sshll.u32 s28, $0x1;
	[dreg:$0x2] =	wrdreg s3  }
0xa9: {  	[dreg:$0x3] =	wrdreg s5  }
0xaa: {  	[dreg:$0x4] =	wrdreg $0xC0  }
0xab: {  	_ =	task [dreg:s7], $0x5FFFF  }
0xac: {  	[dreg:$0x1] =	wrdreg $0xFFFFFFFF  }
0xad: {  	[dreg:$0x0] =	wrdreg $0x60  }
0xae: {  	[dreg:$0x2] =	wrdreg s24  }
0xaf: {  	[dreg:$0x3] =	wrdreg s2  }
0xb0: {  	[dreg:$0x4] =	wrdreg $0x9  }
0xb1: {  	_ =	task.clear_ibuf [dreg:s7], $0x5FFFF;
	_ =	strace $0x90000046  }
0xb2: {  	s29 =	simm.s32 $0x9;
	_ =	strace $0x80000048  }
0xb3: {  	_ =	swait.ge [sflag:s29], $0x1  }
0xb4: {  	[sflag:s29] =	ssyncadd.s32 $0xFFFFFFFF  }
0xb5: {  	_ =	strace $0x90000048  }
0xb6: {  	_ =	sfence  }
0xb7: {  	s30 =	sld [smem:$0x0];
	_ =	sdelay $0x2  }
0xb8: {  	s31 =	sshll.u32 s1, $0xD;
	s1 =	sshrl.u32 s1, $0x2  }
0xb9: {  	s3 =	sand.u32 $0x4000, s31;
	s1 =	sadd.s32 s1, s30  }
0xba: {  	s0 =	sor.u32 s3, s0;
	s1 =	sshll.u32 s1, $0x11  }
0xbb: {  	s0 =	sor.u32 s1, s0  }
0xbc: {  	s0 =	sadd.s32 $0x8F2B, s0  }
0xbd: {  	[sflag:s0] =	ssyncadd.remote.s32 $0x1  }
0xbe: {  	_ =	sfence.sel $0xFFFF  }
0xbf: {  	[dreg:$0x0] =	wrdreg $0xFFFFFFFF;
	(pc) =	sbr.abs _section_cstart, $3  }
0xc0: {  	[dreg:$0x1] =	wrdreg $0xFFFFFFFF  }
0xc1: {  	_ =	task.clear_ibuf [dreg:s7], $0x2FFFF;
	_ =	strace $0x9FFFFFFF  }
0xc2: {  	(tm) =	ssettm $0x7FFFFFFF  }
0xc3: {  	_ =	shalt  }
tec
execute0_lowered:
.L_overlay_start_1:
0x0: {  	(tag) =	ssettag $0x1  }
0x1: {  	s3 =	rddreg [dreg:$0x0];
	s1 =	srdreg.scid  }
0x2: {  	s0 =	stileid.u32;
	s5 =	rddreg [dreg:$0x1]  }
0x3: {  	s2 =	simm.s32 $0x0;
	s9 =	simm.s32 $0x280;
	s10 =	simm.s32 $0xA80  }
0x4: {  	s11 =	simm.s32 $0x100;
	s12 =	simm.s32 $0x1280;
	s13 =	simm.s32 $0x180  }
0x5: {  	s14 =	simm.s32 $0x1A80;
	s15 =	simm.s32 $0x200;
	s16 =	simm.s32 $0x2280  }
0x6: {  	s17 =	simm.s32 $0x1;
	s18 =	simm.s32 $0x2A80;
	s19 =	simm.s32 $0x0  }
0x7: {  	s4 =	sand.u32 $0x1, s1;
	s6 =	sshll.u32 s0, $0x1;
	s1 =	rddreg [dreg:$0x2]  }
0x8: {  	[smem:$0x7FF] =	sst s2;
	s6 =	sor.u32 s4, s6;
	s4 =	ssub.s32 $0x2, s4  }
0x9: {  	s7 =	smul.u32 $0x50, s6;
	s8 =	sshrl.u32 s4, $0x1;
	s6 =	sshll.u32 s6, $0x6  }
0xa: {  	_ =	strace $0x80000047;
	s8 =	ssub.s32 s4, s8;
	s5 =	sadd.s32 s5, s6  }
0xb: {  	s7 =	sadd.s32 s7, s3;
	s3 =	sadd.s32 $0x1800, s3;
	s6 =	smax.u32 s8, $0x1  }
0xc: {  	s8 =	simm.s32 $0x80;
	s4 =	sadd.s32 $0xE00, s7;
	s7 =	simm.s32 $0x2  }
.LBB2_1:
0xd: {  	[tilespmem:s2], [sflag:$0x2] =	stream.linear.gather [hbm4b:s4+s2], $0x280, $0x38;
	[tilespmem:$0x2C80] =	vst v63  }
0xe: {  	_ =	swait.ge [sflag:s7], $0x280  }
0xf: {  	[sflag:s7] =	ssyncset.done $0x0  }
0x10: {  	[sflag:s7] =	ssyncadd.s32 $0xFFFFFD80  }
0x11: {  	[tilespmem:s9], [sflag:$0x1] =	stream.indirect.gather [hbm4b:s3+s8], $0x10, s2, s8, $0xb8;
	[tilespmem:$0x2C80] =	vst v63  }
0x12: {  	_ = 	snop  }
0x13: {  	[tilespmem:s10], [sflag:$0x1] =	stream.indirect.gather [hbm4b:s3+s8], $0x10, s8, s8, $0xb8;
	[tilespmem:$0x2C80] =	vst v63  }
0x14: {  	_ = 	snop  }
0x15: {  	[tilespmem:s12], [sflag:$0x1] =	stream.indirect.gather [hbm4b:s3+s8], $0x10, s11, s8, $0xb8;
	[tilespmem:$0x2C80] =	vst v63  }
0x16: {  	_ = 	snop  }
0x17: {  	[tilespmem:s14], [sflag:$0x1] =	stream.indirect.gather [hbm4b:s3+s8], $0x10, s13, s8, $0xb8;
	[tilespmem:$0x2C80] =	vst v63  }
0x18: {  	_ = 	snop  }
0x19: {  	[tilespmem:s16], [sflag:$0x1] =	stream.indirect.gather [hbm4b:s3+s8], $0x10, s15, s8, $0xb8;
	[tilespmem:$0x2C80] =	vst v63  }
0x1a: {  	_ =	swait.ge [sflag:s17], $0x800  }
0x1b: {  	[sflag:s17] =	ssyncset.done $0x0  }
0x1c: {  	[sflag:s17] =	ssyncadd.s32 $0xFFFFF800  }
0x1d: {  	_ =	swait.ge [sflag:s17], $0x800  }
0x1e: {  	[sflag:s17] =	ssyncset.done $0x0  }
0x1f: {  	[sflag:s17] =	ssyncadd.s32 $0xFFFFF800  }
0x20: {  	_ =	swait.ge [sflag:s17], $0x800  }
0x21: {  	[sflag:s17] =	ssyncset.done $0x0  }
0x22: {  	[sflag:s17] =	ssyncadd.s32 $0xFFFFF800  }
0x23: {  	_ =	swait.ge [sflag:s17], $0x800  }
0x24: {  	[sflag:s17] =	ssyncset.done $0x0  }
0x25: {  	[sflag:s17] =	ssyncadd.s32 $0xFFFFF800  }
0x26: {  	_ =	swait.ge [sflag:s17], $0x800  }
0x27: {  	[sflag:s17] =	ssyncset.done $0x0  }
0x28: {  	s21 =	simm.s32 $0x320;
	[sflag:s17] =	ssyncadd.s32 $0xFFFFF800  }
0x29: {  	v0 =	vld [tilespmem:s21+$0xFFFFFF70]  }
0x2a: {  	s22 =	simm.s32 $0x40;
	s20 =	simm.s32 $0x0;
	v1 =	vld [tilespmem:s21+$0xFFFFFF60]  }
.LBB2_2:
0x2b: {  	p0 =	sne.s32 s22, $0x7C0  }
0x2c: {  	v2 =	vld [tilespmem:s21+$0xFFFFFF80];
	_ =	sdelay $0x1  }
0x2d: {  	v3 =	vld [tilespmem:s21+$0xFFFFFF90]  }
0x2e: {  	v0 =	vadd.f32 v0, v1  }
0x2f: {  	v1 =	vld [tilespmem:s21+$0xFFFFFFA0]  }
0x30: {  	v0 =	vadd.f32 v2, v0  }
0x31: {  	v2 =	vld [tilespmem:s21+$0xFFFFFFB0]  }
0x32: {  	v0 =	vadd.f32 v3, v0  }
0x33: {  	v3 =	vld [tilespmem:s21+$0xFFFFFFC0]  }
0x34: {  	v0 =	vadd.f32 v1, v0  }
0x35: {  	v1 =	vld [tilespmem:s21+$0xFFFFFFD0]  }
0x36: {  	v0 =	vadd.f32 v2, v0  }
0x37: {  	v2 =	vld [tilespmem:s21+$0xFFFFFFE0]  }
0x38: {  	v0 =	vadd.f32 v3, v0  }
0x39: {  	v3 =	vld [tilespmem:s21+$0xFFFFFFF0]  }
0x3a: {  	v0 =	vadd.f32 v1, v0  }
0x3b: {  	v1 =	vld [tilespmem:s21+$0x0]  }
0x3c: {  	v0 =	vadd.f32 v2, v0  }
0x3d: {  	v2 =	vld [tilespmem:s21+$0x10]  }
0x3e: {  	v0 =	vadd.f32 v3, v0  }
0x3f: {  	v3 =	vld [tilespmem:s21+$0x20]  }
0x40: {  	v0 =	vadd.f32 v1, v0  }
0x41: {  	v1 =	vld [tilespmem:s21+$0x30]  }
0x42: {  	v0 =	vadd.f32 v2, v0  }
0x43: {  	v2 =	vld [tilespmem:s21+$0x40]  }
0x44: {  	v0 =	vadd.f32 v3, v0  }
0x45: {  	v3 =	vld [tilespmem:s21+$0x50]  }
0x46: {  	v0 =	vadd.f32 v1, v0  }
0x47: {  	v1 =	vld [tilespmem:s21+$0x60]  }
0x48: {  	v0 =	vadd.f32 v2, v0  }
0x49: {  	v2 =	vld [tilespmem:s21+$0x70]  }
0x4a: {  	v0 =	vadd.f32 v3, v0  }
0x4b: {  	v3 =	vld [tilespmem:s21+$0x80]  }
0x4c: {  	v0 =	vadd.f32 v1, v0  }
0x4d: {  	v1 =	vld [tilespmem:s21+$0x90]  }
0x4e: {  	v0 =	vadd.f32 v2, v0;
	_ =	sdelay $0x1  }
0x4f: {  	v0 =	vadd.f32 v3, v0;
	_ =	sdelay $0x1  }
0x50: {  	v0 =	vadd.f32 v1, v0;
	_ =	sdelay $0x1  }
.Ltmp0:
0x51: {  	v0 =	vmul.f32 $5.000000070e-02, v0;
	(pc) =	sbr.rel @p0 .LBB2_2-.Ltmp0, $4  }
0x52: {  	s23 =	sshra.s32 s20, $0x2;
	s20 =	smov.u32 s22  }
0x53: {  	s21 =	sadd.s32 $0x140, s21;
	[tilespmem:s23+$0x2A80] =	vst v0  }
0x54: {  	v0 =	vld [tilespmem:s21+$0xFFFFFF70]  }
0x55: {  	s22 =	sadd.s32 $0x40, s22;
	v1 =	vld [tilespmem:s21+$0xFFFFFF60]  }
0x56: {  	_ = 	snop  }
0x57: {  	v2 =	vld [tilespmem:s21+$0xFFFFFF80];
	_ =	sdelay $0x1  }
0x58: {  	v3 =	vld [tilespmem:s21+$0xFFFFFF90]  }
0x59: {  	v0 =	vadd.f32 v0, v1  }
0x5a: {  	v48 =	vld [tilespmem:s21+$0xFFFFFFA0]  }
0x5b: {  	v0 =	vadd.f32 v2, v0  }
0x5c: {  	v49 =	vld [tilespmem:s21+$0xFFFFFFB0]  }
0x5d: {  	v0 =	vadd.f32 v3, v0  }
0x5e: {  	v50 =	vld [tilespmem:s21+$0xFFFFFFC0]  }
0x5f: {  	v0 =	vadd.f32 v48, v0  }
0x60: {  	v51 =	vld [tilespmem:s21+$0xFFFFFFD0]  }
0x61: {  	v0 =	vadd.f32 v49, v0  }
0x62: {  	v52 =	vld [tilespmem:s21+$0xFFFFFFE0]  }
0x63: {  	v0 =	vadd.f32 v50, v0  }
0x64: {  	v53 =	vld [tilespmem:s21+$0xFFFFFFF0]  }
0x65: {  	v0 =	vadd.f32 v51, v0  }
0x66: {  	v54 =	vld [tilespmem:s21+$0x0]  }
0x67: {  	v0 =	vadd.f32 v52, v0  }
0x68: {  	v55 =	vld [tilespmem:s21+$0x10]  }
0x69: {  	v0 =	vadd.f32 v53, v0  }
0x6a: {  	v56 =	vld [tilespmem:s21+$0x20]  }
0x6b: {  	v0 =	vadd.f32 v54, v0  }
0x6c: {  	v57 =	vld [tilespmem:s21+$0x30]  }
0x6d: {  	v0 =	vadd.f32 v55, v0  }
0x6e: {  	v58 =	vld [tilespmem:s21+$0x40]  }
0x6f: {  	v0 =	vadd.f32 v56, v0  }
0x70: {  	v59 =	vld [tilespmem:s21+$0x50]  }
0x71: {  	v0 =	vadd.f32 v57, v0  }
0x72: {  	v60 =	vld [tilespmem:s21+$0x60]  }
0x73: {  	v0 =	vadd.f32 v58, v0  }
0x74: {  	v61 =	vld [tilespmem:s21+$0x70]  }
0x75: {  	v0 =	vadd.f32 v59, v0  }
0x76: {  	v62 =	vld [tilespmem:s21+$0x80]  }
0x77: {  	v0 =	vadd.f32 v60, v0  }
0x78: {  	v63 =	vld [tilespmem:s21+$0x90]  }
0x79: {  	v0 =	vadd.f32 v61, v0;
	_ =	sdelay $0x1  }
0x7a: {  	v0 =	vadd.f32 v62, v0;
	_ =	sdelay $0x1  }
0x7b: {  	v0 =	vadd.f32 v63, v0;
	_ =	sdelay $0x1  }
0x7c: {  	s19 =	sadd.s32 $0x1, s19;
	v0 =	vmul.f32 $5.000000070e-02, v0  }
0x7d: {  	s20 =	sshra.s32 s20, $0x2;
	p0 =	sne.s32 s19, s6  }
.Ltmp1:
0x7e: {  	[tilespmem:s20+$0x2A80] =	vst v0;
	(pc) =	sbr.rel @p0 .LBB2_1-.Ltmp1, $4  }
0x7f: {  	[hbm4b:s5+s2] =	stream.linear.scatter [tilespmem:s18], [sflag:$0x2], $0x200, $0x38;
	[tilespmem:$0x2C80] =	vst v63  }
0x80: {  	_ =	swait.ge [sflag:s7], $0x200  }
0x81: {  	[sflag:s7] =	ssyncset.done $0x0  }
0x82: {  	[sflag:s7] =	ssyncadd.s32 $0xFFFFFE00  }
0x83: {  	_ =	sfence.sel $0x180000  }
0x84: {  	[bflag:$0x0] =	sbarrier.arrive $0xFFFF  }
0x85: {  	p0 =	sne.s32 s0, $0x0;
	_ =	strace $0x90000047  }
0x86: {  	s0 =	sadd.s32 @!p0 $0x100000, s1;
	[bflag:$0x2] =	sbarrier.arrive $0xFFFF  }
0x87: {  	[sflag:s0] =	ssyncadd.tile.s32 @!p0 $0x1;
	_ =	shalt  }
.Lfunc_end2:
_tile_overlayer_lowered:
.L_overlay_start_2:
0x88: {  	(tag) =	ssettag $0x2  }
0x89: {  	s0 =	rddreg [dreg:$0x0];
	s2 =	stileid.u32  }
0x8a: {  	s1 =	rddreg [dreg:$0x1];
	p0 =	sne.s32 s2, $0x0  }
0x8b: {  	s3 =	rddreg [dreg:$0x2];
	[bflag:$0x3] =	sbarrier.arrive $0xFFFF;
	s2 =	simm.s32 @!p0 $0x1C02  }
0x8c: {  	[timem:s3], [sflag:s2] =	dma.local @!p0 [hbm:s0], s1  }
0x8d: {  	s0 =	simm.s32 @!p0 $0x2  }
0x8e: {  	_ =	swait.ge @!p0 [sflag:s0], s1  }
0x8f: {  	s1 =	ssub.s32 @!p0 $0x0, s1;
	[sflag:s0] =	ssyncset.done @!p0 $0x0  }
0x90: {  	[sflag:s0] =	ssyncadd.s32 @!p0 s1  }
0x91: {  	[bflag:$0x3] =	sbarrier.arrive $0xFFFF  }
0x92: {  	_ =	shalt  }

</sc_bundles>
